<compile_context>
chip_gen: v7x
topology: tpu7x:2x2x1
jax: 0.10.2.dev20260603
libtpu: 0.0.44.dev20260713+nightly
codegen_flags: <defaults>
</compile_context>

<pallas_src>
import jax
import jax.numpy as jnp
from jax import lax
from jax.experimental import pallas as pl

_NH = 32
_NKEEP = 1024


def _noop(x_ref, o_ref):
    o_ref[...] = x_ref[...]


def kernel(x, coords):
    b, n, e = x.shape
    x = pl.pallas_call(
        _noop, out_shape=jax.ShapeDtypeStruct(x.shape, x.dtype))(x)
    cq = jnp.transpose(coords[:, :, :, 0], (0, 2, 1))
    d2 = jnp.sum((cq[:, :, None, :] - cq[:, None, :, :]) ** 2, axis=-1)
    _, idx = jax.lax.top_k(-d2, _NH)
    bidx = jnp.arange(b)[:, None, None]
    x_nh = x[bidx, idx, :]
    gm = jnp.abs(jnp.mean(x, axis=1))
    ls = jnp.std(x_nh, axis=-2, ddof=1)
    ld = jnp.sum(ls / gm[:, None, :], axis=-1)
    pad = coords[:, 0, :, 0] > 999.0
    ld = jnp.where(pad, ld - 10000.0, ld)
    _, indices = jax.lax.top_k(ld, _NKEEP)
    x_out = jnp.take_along_axis(x, indices[:, :, None], axis=1)
    coords_out = jnp.take_along_axis(coords, indices[:, None, :, None], axis=2)
    return (x_out, coords_out, ld)

# --- scband reference (transcript-rebuilt; emitter-appended) ---
"""Pipeline reference for scband-reduction-layer-89266600280291 (READ-ONLY COPY).

The authoritative reference and input builder live on the scoring server;
editing this copy changes nothing except your own understanding.
"""

import jax, jax.numpy as jnp
import numpy as np

NH = 16 * 2  # module doubles nh in __init__
P_REDUCTION = 0.5


def nn_layer(x, coords_q, coords_k, nh):
    # x: [b, n, e]; coords_*: [b, C, n, 1]
    b, n, e = x.shape
    cq = jnp.transpose(coords_q[:, :, :, 0], (0, 2, 1))  # [b, n, C]
    ck = jnp.transpose(coords_k[:, :, :, 0], (0, 2, 1))  # [b, n, C]
    d2 = jnp.sum((cq[:, :, None, :] - ck[:, None, :, :]) ** 2, axis=-1)  # [b, n, n]
    _, idx = jax.lax.top_k(-d2, nh)  # nearest nh neighbors, [b, n, nh]
    bidx = jnp.arange(b)[:, None, None]
    x_nh = x[bidx, idx, :]  # [b, n, nh, e]
    rel_coords = ck[bidx, idx, :] - cq[:, :, None, :]  # [b, n, nh, C]
    return x_nh, idx, rel_coords


def setup_inputs(seed: int = 0) -> dict:
    key = jax.random.key(seed)
    k1, k2 = jax.random.split(key)
    x = jax.random.normal(k1, (2, 2048, 256), dtype=jnp.float32)
    coords = jax.random.uniform(k2, (2, 2, 2048, 1), dtype=jnp.float32)
    return {"x": x, "coords": coords}


def reference(x, coords):
    x_nh, _, rel_coords = nn_layer(x, coords, coords, NH)
    b, n, nh, e = x_nh.shape
    global_m = jnp.abs(jnp.mean(x, axis=1))  # [b, e]
    local_s = jnp.std(x_nh, axis=-2, ddof=1)  # torch std is unbiased; [b, n, e]
    local_dist = jnp.sum(local_s / global_m[:, None, :], axis=-1)  # [b, n]
    rel_coords_pad = coords[:, 0, :, 0] > 999.0  # [b, n]
    local_dist = jnp.where(rel_coords_pad, local_dist - 10000.0, local_dist)
    n_keep = int((1.0 - P_REDUCTION) * n)
    _, indices = jax.lax.top_k(local_dist, n_keep)  # largest, [b, n_keep]
    x_out = jnp.take_along_axis(x, indices[:, :, None], axis=1)  # [b, n_keep, e]
    coords_out = jnp.take_along_axis(coords, indices[:, None, :, None], axis=2)  # [b, C, n_keep, 1]
    return (x_out, coords_out, local_dist)

if __name__ == "__main__":
    import jax
    _d = setup_inputs()
    print(jax.jit(kernel)(*tuple(_d.values())))

</pallas_src>

<mosaic_0001>
module attributes {stable_mosaic.version = 14 : i64} {
  func.func @_noop(%arg0: memref<2x2048x256xf32, #tpu.memory_space<vmem>>, %arg1: memref<2x2048x256xf32, #tpu.memory_space<vmem>>) attributes {dimension_semantics = [], scalar_prefetch = 0 : i64, scratch_operands = 0 : i64, tpu.core_type = #tpu.core_type<tc>} {
    %get3A = arith.constant 0 : index
    %get3A_0 = arith.constant 0 : index
    %get3A_1 = arith.constant 0 : index
    %get3A_2 = vector.load %arg0[%get3A, %get3A_0, %get3A_1] : memref<2x2048x256xf32, #tpu.memory_space<vmem>>, vector<2x2048x256xf32>
    %swap3A = arith.constant 0 : index
    %swap3A_3 = arith.constant 0 : index
    %swap3A_4 = arith.constant 0 : index
    %swap3A_5 = vector.load %arg1[%swap3A, %swap3A_3, %swap3A_4] : memref<2x2048x256xf32, #tpu.memory_space<vmem>>, vector<2x2048x256xf32>
    tpu.vector_store %arg1[%swap3A, %swap3A_3, %swap3A_4], %get3A_2 {strides = array<i32>} : memref<2x2048x256xf32, #tpu.memory_space<vmem>>, vector<2x2048x256xf32>,
    return
  }
}

</mosaic_0001>

<sc_bundles>
// kernel: gather_offload_async_start.1
scs
__scs_entry_jumppad:
0x0: {  	(pc) =	sbr.rel $0x88, $3  }
0x1: {  	(tag) =	ssettag $0x0;
	lr =	simm.s32 $0x1  }
0x2: {  	[smem:$0x3F9F] =	sst lr;
	_ =	strace $0xD0000000  }
0x3: {  	_ = 	snop  }
0x4: {  	_ = 	snop  }
0x5: {  	_ = 	snop  }
0x6: {  	_ = 	snop  }
0x7: {  	_ = 	snop  }
__scs_overlays_trampoline_lowered:
0x8: {  	[smem:$0x3FAE] =	sst s0  }
0x9: {  	[smem:$0x3FAF] =	sst s1  }
0xa: {  	[smem:$0x3FB0] =	sst s2  }
0xb: {  	[smem:$0x3FB1] =	sst s3  }
0xc: {  	[smem:$0x3FB2] =	sst s4  }
0xd: {  	[smem:$0x3FB3] =	sst s5  }
0xe: {  	[smem:$0x3FB4] =	sst s6  }
0xf: {  	[smem:$0x3FB5] =	sst s7  }
0x10: {  	[smem:$0x3FB6] =	sst s8  }
0x11: {  	[smem:$0x3FB7] =	sst s9;
	s0 =	simm.s32 @!p0 $0x0  }
0x12: {  	s1 =	sld [smem:$0x3F9D];
	s0 =	simm.s32 @p0 $0x1  }
0x13: {  	[smem:$0x3FB8] =	sst s0;
	s0 =	simm.s32 @!p1 $0x0  }
0x14: {  	s2 =	sld [smem:$0x3F9C];
	s0 =	simm.s32 @p1 $0x1  }
0x15: {  	[smem:$0x3FB9] =	sst s0;
	s0 =	simm.s32 @!p2 $0x0  }
0x16: {  	s3 =	sld [smem:$0x3FDB];
	s0 =	simm.s32 @p2 $0x1  }
0x17: {  	s4 =	simm.s32 $0x1BF5;
	[smem:$0x3FBB] =	sst s0  }
0x18: {  	s0 =	sld [smem:$0x3F9E];
	_ =	swait.ge [sflag:s4], $0x0  }
0x19: {  	s7 =	sld [smem:$0x3F9F]  }
0x1a: {  	s8 =	sadd.s32 $0xFFFFE003, lr  }
0x1b: {  	s9 =	sadd.s32 $0xFFFFFEF7, lr;
	s5 =	simm.s32 $0xFFFFFFFF;
	p2 =	slt.u32 s8, $0xFFFFF086  }
0x1c: {  	p1 =	slt.u32 s9, $0xF7A;
	s5 =	simm.s32 @!p2 $0x0  }
0x1d: {  	s5 =	simm.s32 @p1 $0x1;
	p0 =	seq.s32 s7, s2  }
0x1e: {  	s7 =	smul.u32 @!p0 $0xF7A, s2;
	p2 =	seq.s32 @!p0 s5, $0x0  }
0x1f: {  	s9 =	smul.u32 $0xF7A, s1;
	s8 =	simm.s32 @!p0 $0x1BF5;
	p2 =	por !p2, p0  }
0x20: {  	[sflag:s8] =	ssyncset.s32 @!p0 $0xFFFFF086;
	s6 =	sadd.s32 @!p0 s3, s7;
	s7 =	simm.s32 @!p0 $0x108  }
0x21: {  	s3 =	sadd.s32 s3, s9;
	s6 =	sadd.s32 @!p0 $0x88, s6;
	s7 =	simm.s32 @p2 $0x1082  }
0x22: {  	[simem:s7], [sflag:s8] =	dma.local @!p0 [hbm:s6], $0xF7A  }
0x23: {  	s9 =	sor.u32 $0xD0000000, s2;
	s6 =	simm.s32 $0x108;
	_ =	swait.ge @!p0 [sflag:s8], $0x0  }
0x24: {  	s3 =	sadd.s32 $0x88, s3;
	s6 =	simm.s32 @!p1 $0x1082;
	[sflag:s4] =	ssyncset.s32 $0xFFFFF086  }
0x25: {  	[simem:s6], [sflag:s4] =	dma.local [hbm:s3], $0xF7A  }
0x26: {  	[smem:$0x3F9F] =	sst s1;
	(tag) =	ssettag s2;
	_ =	strace s9  }
0x27: {  	s1 =	sld [smem:$0x3FAF]  }
0x28: {  	s2 =	sld [smem:$0x3FB0]  }
0x29: {  	s4 =	sld [smem:$0x3FB2]  }
0x2a: {  	p0 =	seq.s32 s5, $0x0;
	s5 =	sld [smem:$0x3FB3]  }
0x2b: {  	s6 =	sld [smem:$0x3FB4]  }
0x2c: {  	s7 =	sld [smem:$0x3FB5]  }
0x2d: {  	s3 =	simm.s32 $0x108;
	s8 =	sld [smem:$0x3FB6]  }
0x2e: {  	s3 =	simm.s32 @!p0 $0x1082;
	s9 =	sld [smem:$0x3FB7]  }
0x2f: {  	lr =	sadd.s32 s0, s3;
	s0 =	sld [smem:$0x3FAE]  }
0x30: {  	s3 =	sld [smem:$0x3FB1]  }
0x31: {  	[smem:$0x3FBA] =	sst s10  }
0x32: {  	s10 =	sld [smem:$0x3FB8];
	_ =	sdelay $0x3  }
0x33: {  	p0 =	seq.s32 s10, $0x1;
	s10 =	sld [smem:$0x3FBA];
	_ =	sdelay $0x3  }
0x34: {  	[smem:$0x3FBA] =	sst s10  }
0x35: {  	s10 =	sld [smem:$0x3FB9];
	_ =	sdelay $0x3  }
0x36: {  	p1 =	seq.s32 s10, $0x1;
	s10 =	sld [smem:$0x3FBA];
	_ =	sdelay $0x3  }
0x37: {  	[smem:$0x3FBA] =	sst s10  }
0x38: {  	s10 =	sld [smem:$0x3FBB]  }
0x39: {  	_ = 	snop;
	(pc) =	sbr.ind lr, $3  }
0x3a: {  	_ = 	snop  }
0x3b: {  	_ = 	snop  }
0x3c: {  	p2 =	seq.s32 s10, $0x1;
	s10 =	sld [smem:$0x3FBA]  }
0x3d: {  	_ =	shalt  }
0x3e: {  	_ =	shalt  }
0x3f: {  	_ =	shalt  }
0x40: {  	_ =	shalt  }
0x41: {  	_ =	shalt  }
0x42: {  	_ =	shalt  }
0x43: {  	_ =	shalt  }
0x44: {  	_ =	shalt  }
0x45: {  	_ =	shalt  }
0x46: {  	_ =	shalt  }
0x47: {  	_ =	shalt  }
0x48: {  	_ =	shalt  }
0x49: {  	_ =	shalt  }
0x4a: {  	_ =	shalt  }
0x4b: {  	_ =	shalt  }
0x4c: {  	_ =	shalt  }
0x4d: {  	_ =	shalt  }
0x4e: {  	_ =	shalt  }
0x4f: {  	_ =	shalt  }
0x50: {  	_ =	shalt  }
0x51: {  	_ =	shalt  }
0x52: {  	_ =	shalt  }
0x53: {  	_ =	shalt  }
0x54: {  	_ =	shalt  }
0x55: {  	_ =	shalt  }
0x56: {  	_ =	shalt  }
0x57: {  	_ =	shalt  }
0x58: {  	_ =	shalt  }
0x59: {  	_ =	shalt  }
0x5a: {  	_ =	shalt  }
0x5b: {  	_ =	shalt  }
0x5c: {  	_ =	shalt  }
0x5d: {  	_ =	shalt  }
0x5e: {  	_ =	shalt  }
0x5f: {  	_ =	shalt  }
0x60: {  	_ =	shalt  }
0x61: {  	_ =	shalt  }
0x62: {  	_ =	shalt  }
0x63: {  	_ =	shalt  }
0x64: {  	_ =	shalt  }
0x65: {  	_ =	shalt  }
0x66: {  	_ =	shalt  }
0x67: {  	_ =	shalt  }
0x68: {  	_ =	shalt  }
0x69: {  	_ =	shalt  }
0x6a: {  	_ =	shalt  }
0x6b: {  	_ =	shalt  }
0x6c: {  	_ =	shalt  }
0x6d: {  	_ =	shalt  }
0x6e: {  	_ =	shalt  }
0x6f: {  	_ =	shalt  }
0x70: {  	_ =	shalt  }
0x71: {  	_ =	shalt  }
0x72: {  	_ =	shalt  }
0x73: {  	_ =	shalt  }
0x74: {  	_ =	shalt  }
0x75: {  	_ =	shalt  }
0x76: {  	_ =	shalt  }
0x77: {  	_ =	shalt  }
0x78: {  	_ =	shalt  }
0x79: {  	_ =	shalt  }
0x7a: {  	_ =	shalt  }
0x7b: {  	_ =	shalt  }
0x7c: {  	_ =	shalt  }
0x7d: {  	_ =	shalt  }
0x7e: {  	_ =	shalt  }
0x7f: {  	_ =	shalt  }
0x80: {  	_ =	shalt  }
0x81: {  	_ =	shalt  }
0x82: {  	_ =	shalt  }
0x83: {  	_ =	shalt  }
0x84: {  	_ =	shalt  }
0x85: {  	_ =	shalt  }
0x86: {  	_ =	shalt  }
0x87: {  	_ =	shalt  }
.Lfunc_end0:
.L_simem_size_0:
called_computation.2_lowered:
.L_overlay_start_0:
0x88: {  	s2 =	sld [smem:$0x3FD9]  }
0x89: {  	s3 =	sld [smem:$0x3FFE];
	_ =	sdelay $0x1  }
0x8a: {  	s1 =	srdreg.scid  }
0x8b: {  	s0 =	sand.u32 $0x1, s1  }
0x8c: {  	s14 =	sshll.u32 s0, $0xA;
	s2 =	sadd.s32 s3, s2  }
0x8d: {  	s2 =	sadd.s32 s2, s14  }
0x8e: {  	[smem:$0x3FC6] =	sst s2  }
0x8f: {  	_ = 	snop  }
0x90: {  	s2 =	sld [smem:$0x3FD0];
	_ =	sdelay $0x2  }
0x91: {  	s15 =	simm.s32 $0xB;
	s4 =	simm.s32 $0x10  }
0x92: {  	[smem:s4], [sflag:s15] =	dma.local [hbm:s2], $0x1  }
0x93: {  	_ =	swait.eq [sflag:s15], $0x1  }
0x94: {  	[sflag:s15] =	ssyncset.done $0x0  }
0x95: {  	[sflag:s15] =	ssyncadd.s32 $0xFFFFFFFF  }
0x96: {  	s16 =	sld [smem:$0x10];
	(tm) =	ssettm $0x1  }
0x97: {  	s17 =	sld [smem:$0x3FFB];
	_ =	sdelay $0x3  }
0x98: {  	_ =	strace s17  }
0x99: {  	s3 =	sld [smem:$0x3FFC];
	_ =	sdelay $0x3  }
0x9a: {  	_ =	strace s3  }
0x9b: {  	s3 =	sld [smem:$0x3FFD];
	_ =	sdelay $0x3  }
0x9c: {  	_ =	strace s3  }
0x9d: {  	_ =	strace $0x8FFFFFFF  }
0x9e: {  	s18 =	sld [smem:$0x3FDB];
	_ =	sdelay $0x1  }
0x9f: {  	s19 =	simm.s32 $_scs_section_size  }
0xa0: {  	s5 =	simm.s32 $_size__tile_overlayer_lowered;
	s6 =	simm.s32 $_tile_overlayer_lowered  }
0xa1: {  	s22 =	simm.s32 $0x1BFF;
	s21 =	sshll.u32 s6, $0x1;
	s3 =	sadd.s32 s19, s18  }
0xa2: {  	s7 =	simm.s32 $0x0;
	s20 =	sshll.u32 s5, $0x1;
	s5 =	sadd.s32 s21, s3  }
0xa3: {  	[timem:s7], [sflag:s22] =	dma.local [hbm:s5], s20  }
0xa4: {  	_ =	swait.ge [sflag:s22], s20  }
0xa5: {  	s4 =	ssub.s32 $0x0, s20;
	[sflag:s22] =	ssyncset.done $0x0  }
0xa6: {  	[sflag:s22] =	ssyncadd.s32 s4;
	_ =	sdelay $0x1  }
0xa7: {  	s23 =	simm.s32 $0x1B8B  }
0xa8: {  	_ =	swait.ge [sflag:s23], $0x1  }
0xa9: {  	[sflag:s23] =	ssyncset.done $0x0  }
0xaa: {  	s25 =	simm.s32 $0x1B8E;
	s24 =	sld [smem:$0x3FFE];
	[sflag:s23] =	ssyncadd.s32 $0xFFFFFFFF  }
0xab: {  	s26 =	simm.s32 $execute0_lowered;
	[smem:$0x3FD2] =	sst s25  }
0xac: {  	s5 =	sshll.u32 s26, $0x1;
	_ =	strace $0x80000049;
	[dreg:$0x1] =	wrdreg $0xFFFFFFFF  }
0xad: {  	s28 =	simm.s32 $_size_execute0_lowered;
	s3 =	sadd.s32 s3, s5;
	[dreg:$0x0] =	wrdreg $0x0  }
0xae: {  	s5 =	sshll.u32 s28, $0x1;
	[dreg:$0x2] =	wrdreg s3  }
0xaf: {  	[dreg:$0x3] =	wrdreg s5  }
0xb0: {  	[dreg:$0x4] =	wrdreg $0xC0  }
0xb1: {  	_ =	task [dreg:s7], $0x5FFFF  }
0xb2: {  	[dreg:$0x1] =	wrdreg $0xFFFFFFFF  }
0xb3: {  	[dreg:$0x0] =	wrdreg $0x60  }
0xb4: {  	[dreg:$0x2] =	wrdreg s16  }
0xb5: {  	[dreg:$0x3] =	wrdreg s24  }
0xb6: {  	[dreg:$0x4] =	wrdreg $0xA  }
0xb7: {  	_ =	task.clear_ibuf [dreg:s7], $0x5FFFF;
	_ =	strace $0x90000049  }
0xb8: {  	s29 =	simm.s32 $0xA;
	_ =	strace $0x8000004B  }
0xb9: {  	_ =	swait.ge [sflag:s29], $0x1  }
0xba: {  	[sflag:s29] =	ssyncadd.s32 $0xFFFFFFFF  }
0xbb: {  	_ =	strace $0x9000004B  }
0xbc: {  	_ =	sfence  }
0xbd: {  	s30 =	sld [smem:$0x0];
	_ =	sdelay $0x2  }
0xbe: {  	s31 =	sshll.u32 s1, $0xD;
	s1 =	sshrl.u32 s1, $0x2  }
0xbf: {  	s3 =	sand.u32 $0x4000, s31;
	s1 =	sadd.s32 s1, s30  }
0xc0: {  	s0 =	sor.u32 s3, s0;
	s1 =	sshll.u32 s1, $0x11  }
0xc1: {  	s0 =	sor.u32 s1, s0  }
0xc2: {  	s0 =	sadd.s32 $0x8F2B, s0  }
0xc3: {  	[sflag:s0] =	ssyncadd.remote.s32 $0x1  }
0xc4: {  	_ =	sfence.sel $0xFFFF  }
0xc5: {  	[dreg:$0x0] =	wrdreg $0xFFFFFFFF;
	(pc) =	sbr.abs _section_cstart, $3  }
0xc6: {  	[dreg:$0x1] =	wrdreg $0xFFFFFFFF  }
0xc7: {  	_ =	task.clear_ibuf [dreg:s7], $0x2FFFF;
	_ =	strace $0x9FFFFFFF  }
0xc8: {  	(tm) =	ssettm $0x7FFFFFFF  }
0xc9: {  	_ =	shalt  }
tec
execute0_lowered:
.L_overlay_start_1:
0x0: {  	(tag) =	ssettag $0x1  }
0x1: {  	s2 =	rddreg [dreg:$0x0]  }
0x2: {  	s3 =	rddreg [dreg:$0x1]  }
0x3: {  	s0 =	rddreg [dreg:$0x2];
	s1 =	srdreg.scid;
	_ =	strace $0x8000004A  }
0x4: {  	s4 =	simm.s32 $0x1;
	s9 =	simm.s32 $0x3;
	s5 =	sshll.u32 s1, $0x4  }
.Ltmp0:
0x5: {  	s1 =	stileid.u32;
	s5 =	sand.u32 $0x10, s5;
	(pc) =	sbr.rel .LBB2_1-.Ltmp0, $4  }
0x6: {  	s12 =	simm.s32 $0x0;
	s10 =	simm.s32 $0x0;
	s6 =	sor.u32 s1, s5  }
0x7: {  	[sflag:s4] =	ssyncpa.u1 $0x0;
	s5 =	simm.s32 $0x2;
	s6 =	sshll.u32 s6, $0x6  }
0x8: {  	s7 =	sadd.s32 $0x200, s3;
	[sflag:s5] =	ssyncpa.u1 $0x0;
	s8 =	sadd.s32 $0x40, s6  }
0x9: {  	vm0 =	vmmov $0xff;
	vm1 =	vcmask $0x3F20;
	[sflag:s9] =	ssyncpa.u1 $0x0;
	s9 =	simm.s32 $0x40;
	s11 =	smov.u32 s6  }
.LBB2_9:
0xa: {  	p0 =	seq.s32 s10, $0x2  }
.Ltmp1:
0xb: {  	_ = 	snop;
	(pc) =	sbr.rel @p0 .LBB2_11-.Ltmp1, $1  }
0xc: {  	_ =	sdelay $0x3  }
.LBB2_10:
0xd: {  	s12 =	sadd.s32 $0x40, s11  }
0xe: {  	s13 =	smov.u32 s6;
	p0 =	slt.s32 s12, s8  }
0xf: {  	s13 =	smov.u32 @p0 s12  }
0x10: {  	s10 =	sadd.s32 $0x1, s10;
	s12 =	smov.u32 s11;
	s11 =	smov.u32 s13  }
.LBB2_1:
0x11: {  	p0 =	sne.s32 s10, $0x0  }
.Ltmp2:
0x12: {  	_ = 	snop;
	(pc) =	sbr.rel @!p0 .LBB2_2-.Ltmp2, $1  }
0x13: {  	_ =	sdelay $0x3  }
0x14: {  	s13 =	sand.u32 $0x1, s10  }
0x15: {  	p0 =	seq.s32 s13, $0x0  }
.Ltmp3:
0x16: {  	_ = 	snop;
	(pc) =	sbr.rel @p0 .LBB2_9-.Ltmp3, $1  }
0x17: {  	_ =	sdelay $0x3  }
0x18: {  	_ =	swait.ge [sflag:s5], $0x40  }
0x19: {  	[sflag:s5] =	ssyncset.done $0x0  }
0x1a: {  	s13 =	simm.s32 $0x0;
	[sflag:s5] =	ssyncadd.s32 $0xFFFFFFC0  }
0x1b: {  	v0 =	vld.msk [tilespmem:s13+$0x40 ss:$0x1], $0xffff;
	_ =	sdelay $0x4  }
0x1c: {  	v1 =	vshll.u32 v0, $0x6  }
0x1d: {  	vm2 =	veq.s32 v0, $0x80000000;
	v0 =	vshll.u32 v0, $0x12;
	v1 =	vand.u32 $0x3FF80, v1  }
0x1e: {  	v0 =	vand.u32 $0x40000, v0;
	v1 =	vsel vm2, $0xFFFFFF80, v1  }
0x1f: {  	v0 =	vsel vm2, $0xFFFC0000, v0;
	v2 =	vand.u32 $0xFFFFFC00, v1  }
0x20: {  	v1 =	vand.u32 $0x380, v1;
	v0 =	vadd.s32 v0, v2  }
0x21: {  	v0 =	vor.u32 v1, v0  }
0x22: {  	v0 =	vshrl.u32 v0, $0x3;
	_ =	sdelay $0x3  }
0x23: {  	s13 =	simm.s32 $0x2080  }
0x24: {  	[tilespmem:s13], [sflag:$0x1] =	stream.indirect_vreg.gather [hbm:s2], $0x80, v0, vm0, $0x38;
	[tilespmem:$0x4080] =	vst v63  }
0x25: {  	s14 =	simm.s32 $0x2480;
	s31 =	simm.s32 $0x10  }
0x26: {  	[tilespmem:s14], [sflag:$0x1] =	stream.indirect_vreg.gather [hbm:s2], $0x80, v0, vm1, $0x38;
	[tilespmem:$0x4080] =	vst v63  }
0x27: {  	s14 =	simm.s32 $0x80;
	v0 =	vld.msk [tilespmem:s31+$0x40 ss:$0x1], $0xffff  }
.LBB2_5:
0x28: {  	p0 =	sne.s32 s14, $0xC0;
	_ =	sdelay $0x4  }
0x29: {  	v1 =	vshll.u32 v0, $0x6  }
0x2a: {  	vm2 =	veq.s32 v0, $0x80000000;
	v0 =	vshll.u32 v0, $0x12;
	v1 =	vand.u32 $0x3FF80, v1  }
0x2b: {  	v0 =	vand.u32 $0x40000, v0;
	v1 =	vsel vm2, $0xFFFFFF80, v1  }
0x2c: {  	v0 =	vsel vm2, $0xFFFC0000, v0;
	v2 =	vand.u32 $0xFFFFFC00, v1  }
0x2d: {  	v1 =	vand.u32 $0x380, v1;
	v0 =	vadd.s32 v0, v2  }
0x2e: {  	v0 =	vor.u32 v1, v0  }
0x2f: {  	v0 =	vshrl.u32 v0, $0x3;
	_ =	sdelay $0x3  }
.Ltmp4:
0x30: {  	s13 =	sadd.s32 $0x800, s13;
	(pc) =	sbr.rel @p0 .LBB2_5-.Ltmp4, $4  }
0x31: {  	[tilespmem:s13], [sflag:$0x1] =	stream.indirect_vreg.gather [hbm:s2], $0x80, v0, vm0, $0x38;
	[tilespmem:$0x4080] =	vst v63  }
0x32: {  	s15 =	sshra.s32 s14, $0x2;
	s16 =	sadd.s32 $0x400, s13  }
0x33: {  	[tilespmem:s16], [sflag:$0x1] =	stream.indirect_vreg.gather [hbm:s2], $0x80, v0, vm1, $0x38;
	[tilespmem:$0x4080] =	vst v63  }
0x34: {  	s14 =	sadd.s32 $0x40, s14;
	v0 =	vld.msk [tilespmem:s15+$0x40 ss:$0x1], $0xffff  }
0x35: {  	_ =	sdelay $0x3  }
0x36: {  	v1 =	vshll.u32 v0, $0x6  }
0x37: {  	vm2 =	veq.s32 v0, $0x80000000;
	v63 =	vshll.u32 v0, $0x12;
	v1 =	vand.u32 $0x3FF80, v1  }
0x38: {  	v0 =	vand.u32 $0x40000, v63;
	v1 =	vsel vm2, $0xFFFFFF80, v1  }
0x39: {  	v0 =	vsel vm2, $0xFFFC0000, v0;
	v2 =	vand.u32 $0xFFFFFC00, v1  }
0x3a: {  	v1 =	vand.u32 $0x380, v1;
	v0 =	vadd.s32 v0, v2  }
0x3b: {  	v0 =	vor.u32 v1, v0  }
0x3c: {  	v0 =	vshrl.u32 v0, $0x3;
	_ =	sdelay $0x3  }
0x3d: {  	s13 =	sadd.s32 $0x800, s13  }
0x3e: {  	[tilespmem:s13], [sflag:$0x1] =	stream.indirect_vreg.gather [hbm:s2], $0x80, v0, vm0, $0x38;
	[tilespmem:$0x4080] =	vst v63  }
0x3f: {  	s13 =	sadd.s32 $0x400, s13  }
0x40: {  	[tilespmem:s13], [sflag:$0x1] =	stream.indirect_vreg.gather [hbm:s2], $0x80, v0, vm1, $0x38;
	[tilespmem:$0x4080] =	vst v63  }
0x41: {  	s12 =	sshll.u32 s12, $0x4;
	s14 =	simm.s32 $0x80;
	_ =	swait.ge [sflag:s4], $0x2000  }
0x42: {  	s15 =	simm.s32 $0x2480;
	s12 =	sadd.s32 s12, s7;
	[sflag:s4] =	ssyncset.done $0x0  }
0x43: {  	s16 =	sadd.s32 $0x0, s12;
	s13 =	simm.s32 $0x2080;
	[sflag:s4] =	ssyncadd.s32 $0xFFFFE000  }
.LBB2_7:
0x44: {  	[hbm:s16] =	stream.linear.scatter [tilespmem:s13], [sflag:$0x3], $0x400, $0x38;
	[tilespmem:$0x4080] =	vst v63  }
0x45: {  	s16 =	smov.u32 s14;
	s13 =	smov.u32 s15;
	p0 =	sne.s32 s14, $0x380  }
.Ltmp5:
0x46: {  	s14 =	sadd.s32 $0x80, s14;
	(pc) =	sbr.rel @p0 .LBB2_7-.Ltmp5, $2  }
0x47: {  	_ =	sdelay $0x2  }
0x48: {  	s15 =	sadd.s32 $0x400, s15;
	s16 =	sadd.s32 s16, s12  }
.Ltmp6:
0x49: {  	(pc) =	sbr.rel .LBB2_9-.Ltmp6, $2  }
0x4a: {  	_ =	sdelay $0x2  }
0x4b: {  	[hbm:s16] =	stream.linear.scatter [tilespmem:s13], [sflag:$0x3], $0x400, $0x38;
	[tilespmem:$0x4080] =	vst v63  }
.LBB2_2:
.Ltmp7:
0x4c: {  	(pc) =	sbr.rel .LBB2_10-.Ltmp7, $4  }
0x4d: {  	_ = 	snop  }
0x4e: {  	s12 =	sshrl.u32 s11, $0x3  }
0x4f: {  	s13 =	sand.u32 $0x7, s11;
	s12 =	sadd.s32 s3, s12  }
0x50: {  	[tilespmem:s9], [sflag:$0x2] =	stream.linear.gather [hbm4b:s12+s13], $0x40, $0x38;
	[tilespmem:$0x4080] =	vst v63  }
.LBB2_11:
0x51: {  	s2 =	simm.s32 $0x3  }
0x52: {  	_ =	swait.ge [sflag:s2], $0x2000  }
0x53: {  	[sflag:s2] =	ssyncset.done $0x0  }
0x54: {  	[sflag:s2] =	ssyncadd.s32 $0xFFFFE000  }
0x55: {  	_ =	sfence.sel $0x180000  }
0x56: {  	s3 =	simm.s32 $0x2;
	[bflag:$0x0] =	sbarrier.arrive $0xFFFF  }
0x57: {  	[sflag:s3] =	ssyncpa.u1 $0x1  }
0x58: {  	s31 =	simm.s32 $0x1;
	[sflag:s2] =	ssyncpa.u1 $0x1  }
0x59: {  	[sflag:s31] =	ssyncpa.u1 $0x1  }
0x5a: {  	p0 =	sne.s32 s1, $0x0;
	_ =	strace $0x9000004A  }
0x5b: {  	s0 =	sadd.s32 @!p0 $0x100000, s0;
	[bflag:$0x2] =	sbarrier.arrive $0xFFFF  }
0x5c: {  	[sflag:s0] =	ssyncadd.tile.s32 @!p0 $0x1;
	_ =	shalt  }
.Lfunc_end2:
_tile_overlayer_lowered:
.L_overlay_start_2:
0x5d: {  	(tag) =	ssettag $0x2  }
0x5e: {  	s0 =	rddreg [dreg:$0x0];
	s2 =	stileid.u32  }
0x5f: {  	s1 =	rddreg [dreg:$0x1];
	p0 =	sne.s32 s2, $0x0  }
0x60: {  	s3 =	rddreg [dreg:$0x2];
	[bflag:$0x3] =	sbarrier.arrive $0xFFFF;
	s2 =	simm.s32 @!p0 $0x1C01  }
0x61: {  	[timem:s3], [sflag:s2] =	dma.local @!p0 [hbm:s0], s1  }
0x62: {  	s0 =	simm.s32 @!p0 $0x1  }
0x63: {  	_ =	swait.ge @!p0 [sflag:s0], s1  }
0x64: {  	s1 =	ssub.s32 @!p0 $0x0, s1;
	[sflag:s0] =	ssyncset.done @!p0 $0x0  }
0x65: {  	[sflag:s0] =	ssyncadd.s32 @!p0 s1  }
0x66: {  	[bflag:$0x3] =	sbarrier.arrive $0xFFFF  }
0x67: {  	_ =	shalt  }

// kernel: gather_offload_async_start
scs
__scs_entry_jumppad:
0x0: {  	(pc) =	sbr.rel $0x88, $3  }
0x1: {  	(tag) =	ssettag $0x0;
	lr =	simm.s32 $0x1  }
0x2: {  	[smem:$0x3F9F] =	sst lr;
	_ =	strace $0xD0000000  }
0x3: {  	_ = 	snop  }
0x4: {  	_ = 	snop  }
0x5: {  	_ = 	snop  }
0x6: {  	_ = 	snop  }
0x7: {  	_ = 	snop  }
__scs_overlays_trampoline_lowered:
0x8: {  	[smem:$0x3FAE] =	sst s0  }
0x9: {  	[smem:$0x3FAF] =	sst s1  }
0xa: {  	[smem:$0x3FB0] =	sst s2  }
0xb: {  	[smem:$0x3FB1] =	sst s3  }
0xc: {  	[smem:$0x3FB2] =	sst s4  }
0xd: {  	[smem:$0x3FB3] =	sst s5  }
0xe: {  	[smem:$0x3FB4] =	sst s6  }
0xf: {  	[smem:$0x3FB5] =	sst s7  }
0x10: {  	[smem:$0x3FB6] =	sst s8  }
0x11: {  	[smem:$0x3FB7] =	sst s9;
	s0 =	simm.s32 @!p0 $0x0  }
0x12: {  	s1 =	sld [smem:$0x3F9D];
	s0 =	simm.s32 @p0 $0x1  }
0x13: {  	[smem:$0x3FB8] =	sst s0;
	s0 =	simm.s32 @!p1 $0x0  }
0x14: {  	s2 =	sld [smem:$0x3F9C];
	s0 =	simm.s32 @p1 $0x1  }
0x15: {  	[smem:$0x3FB9] =	sst s0;
	s0 =	simm.s32 @!p2 $0x0  }
0x16: {  	s3 =	sld [smem:$0x3FDB];
	s0 =	simm.s32 @p2 $0x1  }
0x17: {  	s4 =	simm.s32 $0x1BF5;
	[smem:$0x3FBB] =	sst s0  }
0x18: {  	s0 =	sld [smem:$0x3F9E];
	_ =	swait.ge [sflag:s4], $0x0  }
0x19: {  	s7 =	sld [smem:$0x3F9F]  }
0x1a: {  	s8 =	sadd.s32 $0xFFFFE003, lr  }
0x1b: {  	s9 =	sadd.s32 $0xFFFFFEF7, lr;
	s5 =	simm.s32 $0xFFFFFFFF;
	p2 =	slt.u32 s8, $0xFFFFF086  }
0x1c: {  	p1 =	slt.u32 s9, $0xF7A;
	s5 =	simm.s32 @!p2 $0x0  }
0x1d: {  	s5 =	simm.s32 @p1 $0x1;
	p0 =	seq.s32 s7, s2  }
0x1e: {  	s7 =	smul.u32 @!p0 $0xF7A, s2;
	p2 =	seq.s32 @!p0 s5, $0x0  }
0x1f: {  	s9 =	smul.u32 $0xF7A, s1;
	s8 =	simm.s32 @!p0 $0x1BF5;
	p2 =	por !p2, p0  }
0x20: {  	[sflag:s8] =	ssyncset.s32 @!p0 $0xFFFFF086;
	s6 =	sadd.s32 @!p0 s3, s7;
	s7 =	simm.s32 @!p0 $0x108  }
0x21: {  	s3 =	sadd.s32 s3, s9;
	s6 =	sadd.s32 @!p0 $0x88, s6;
	s7 =	simm.s32 @p2 $0x1082  }
0x22: {  	[simem:s7], [sflag:s8] =	dma.local @!p0 [hbm:s6], $0xF7A  }
0x23: {  	s9 =	sor.u32 $0xD0000000, s2;
	s6 =	simm.s32 $0x108;
	_ =	swait.ge @!p0 [sflag:s8], $0x0  }
0x24: {  	s3 =	sadd.s32 $0x88, s3;
	s6 =	simm.s32 @!p1 $0x1082;
	[sflag:s4] =	ssyncset.s32 $0xFFFFF086  }
0x25: {  	[simem:s6], [sflag:s4] =	dma.local [hbm:s3], $0xF7A  }
0x26: {  	[smem:$0x3F9F] =	sst s1;
	(tag) =	ssettag s2;
	_ =	strace s9  }
0x27: {  	s1 =	sld [smem:$0x3FAF]  }
0x28: {  	s2 =	sld [smem:$0x3FB0]  }
0x29: {  	s4 =	sld [smem:$0x3FB2]  }
0x2a: {  	p0 =	seq.s32 s5, $0x0;
	s5 =	sld [smem:$0x3FB3]  }
0x2b: {  	s6 =	sld [smem:$0x3FB4]  }
0x2c: {  	s7 =	sld [smem:$0x3FB5]  }
0x2d: {  	s3 =	simm.s32 $0x108;
	s8 =	sld [smem:$0x3FB6]  }
0x2e: {  	s3 =	simm.s32 @!p0 $0x1082;
	s9 =	sld [smem:$0x3FB7]  }
0x2f: {  	lr =	sadd.s32 s0, s3;
	s0 =	sld [smem:$0x3FAE]  }
0x30: {  	s3 =	sld [smem:$0x3FB1]  }
0x31: {  	[smem:$0x3FBA] =	sst s10  }
0x32: {  	s10 =	sld [smem:$0x3FB8];
	_ =	sdelay $0x3  }
0x33: {  	p0 =	seq.s32 s10, $0x1;
	s10 =	sld [smem:$0x3FBA];
	_ =	sdelay $0x3  }
0x34: {  	[smem:$0x3FBA] =	sst s10  }
0x35: {  	s10 =	sld [smem:$0x3FB9];
	_ =	sdelay $0x3  }
0x36: {  	p1 =	seq.s32 s10, $0x1;
	s10 =	sld [smem:$0x3FBA];
	_ =	sdelay $0x3  }
0x37: {  	[smem:$0x3FBA] =	sst s10  }
0x38: {  	s10 =	sld [smem:$0x3FBB]  }
0x39: {  	_ = 	snop;
	(pc) =	sbr.ind lr, $3  }
0x3a: {  	_ = 	snop  }
0x3b: {  	_ = 	snop  }
0x3c: {  	p2 =	seq.s32 s10, $0x1;
	s10 =	sld [smem:$0x3FBA]  }
0x3d: {  	_ =	shalt  }
0x3e: {  	_ =	shalt  }
0x3f: {  	_ =	shalt  }
0x40: {  	_ =	shalt  }
0x41: {  	_ =	shalt  }
0x42: {  	_ =	shalt  }
0x43: {  	_ =	shalt  }
0x44: {  	_ =	shalt  }
0x45: {  	_ =	shalt  }
0x46: {  	_ =	shalt  }
0x47: {  	_ =	shalt  }
0x48: {  	_ =	shalt  }
0x49: {  	_ =	shalt  }
0x4a: {  	_ =	shalt  }
0x4b: {  	_ =	shalt  }
0x4c: {  	_ =	shalt  }
0x4d: {  	_ =	shalt  }
0x4e: {  	_ =	shalt  }
0x4f: {  	_ =	shalt  }
0x50: {  	_ =	shalt  }
0x51: {  	_ =	shalt  }
0x52: {  	_ =	shalt  }
0x53: {  	_ =	shalt  }
0x54: {  	_ =	shalt  }
0x55: {  	_ =	shalt  }
0x56: {  	_ =	shalt  }
0x57: {  	_ =	shalt  }
0x58: {  	_ =	shalt  }
0x59: {  	_ =	shalt  }
0x5a: {  	_ =	shalt  }
0x5b: {  	_ =	shalt  }
0x5c: {  	_ =	shalt  }
0x5d: {  	_ =	shalt  }
0x5e: {  	_ =	shalt  }
0x5f: {  	_ =	shalt  }
0x60: {  	_ =	shalt  }
0x61: {  	_ =	shalt  }
0x62: {  	_ =	shalt  }
0x63: {  	_ =	shalt  }
0x64: {  	_ =	shalt  }
0x65: {  	_ =	shalt  }
0x66: {  	_ =	shalt  }
0x67: {  	_ =	shalt  }
0x68: {  	_ =	shalt  }
0x69: {  	_ =	shalt  }
0x6a: {  	_ =	shalt  }
0x6b: {  	_ =	shalt  }
0x6c: {  	_ =	shalt  }
0x6d: {  	_ =	shalt  }
0x6e: {  	_ =	shalt  }
0x6f: {  	_ =	shalt  }
0x70: {  	_ =	shalt  }
0x71: {  	_ =	shalt  }
0x72: {  	_ =	shalt  }
0x73: {  	_ =	shalt  }
0x74: {  	_ =	shalt  }
0x75: {  	_ =	shalt  }
0x76: {  	_ =	shalt  }
0x77: {  	_ =	shalt  }
0x78: {  	_ =	shalt  }
0x79: {  	_ =	shalt  }
0x7a: {  	_ =	shalt  }
0x7b: {  	_ =	shalt  }
0x7c: {  	_ =	shalt  }
0x7d: {  	_ =	shalt  }
0x7e: {  	_ =	shalt  }
0x7f: {  	_ =	shalt  }
0x80: {  	_ =	shalt  }
0x81: {  	_ =	shalt  }
0x82: {  	_ =	shalt  }
0x83: {  	_ =	shalt  }
0x84: {  	_ =	shalt  }
0x85: {  	_ =	shalt  }
0x86: {  	_ =	shalt  }
0x87: {  	_ =	shalt  }
.Lfunc_end0:
.L_simem_size_0:
called_computation.1_lowered:
.L_overlay_start_0:
0x88: {  	s2 =	sld [smem:$0x3FD9]  }
0x89: {  	s3 =	sld [smem:$0x3FFE];
	_ =	sdelay $0x1  }
0x8a: {  	s1 =	srdreg.scid  }
0x8b: {  	s0 =	sand.u32 $0x1, s1  }
0x8c: {  	s17 =	sshll.u32 s0, $0xA;
	s2 =	sadd.s32 s3, s2  }
0x8d: {  	s2 =	sadd.s32 s2, s17  }
0x8e: {  	[smem:$0x3FC6] =	sst s2  }
0x8f: {  	_ = 	snop  }
0x90: {  	(tm) =	ssettm $0x1  }
0x91: {  	s18 =	sld [smem:$0x3FFB];
	_ =	sdelay $0x3  }
0x92: {  	_ =	strace s18  }
0x93: {  	s2 =	sld [smem:$0x3FFC];
	_ =	sdelay $0x3  }
0x94: {  	_ =	strace s2  }
0x95: {  	s2 =	sld [smem:$0x3FFD];
	_ =	sdelay $0x3  }
0x96: {  	_ =	strace s2  }
0x97: {  	_ =	strace $0x8FFFFFFF  }
0x98: {  	s19 =	sld [smem:$0x3FDB];
	_ =	sdelay $0x1  }
0x99: {  	s20 =	simm.s32 $_scs_section_size  }
0x9a: {  	s4 =	simm.s32 $_size__tile_overlayer_lowered;
	s5 =	simm.s32 $_tile_overlayer_lowered  }
0x9b: {  	s6 =	simm.s32 $0x1BFF;
	s21 =	sshll.u32 s5, $0x1;
	s3 =	sadd.s32 s20, s19  }
0x9c: {  	s22 =	simm.s32 $0x0;
	s4 =	sshll.u32 s4, $0x1;
	s5 =	sadd.s32 s21, s3  }
0x9d: {  	[timem:s22], [sflag:s6] =	dma.local [hbm:s5], s4  }
0x9e: {  	_ =	swait.ge [sflag:s6], s4  }
0x9f: {  	s4 =	ssub.s32 $0x0, s4;
	[sflag:s6] =	ssyncset.done $0x0  }
0xa0: {  	[sflag:s6] =	ssyncadd.s32 s4;
	_ =	sdelay $0x1  }
0xa1: {  	s23 =	simm.s32 $0x1B8B  }
0xa2: {  	_ =	swait.ge [sflag:s23], $0x1  }
0xa3: {  	[sflag:s23] =	ssyncset.done $0x0  }
0xa4: {  	[sflag:s23] =	ssyncadd.s32 $0xFFFFFFFF  }
0xa5: {  	s4 =	sld [smem:$0x0]  }
0xa6: {  	s5 =	sand.u32 $0xFFFFFFFE, s1  }
0xa7: {  	p0 =	sne.s32 s1, s5  }
0xa8: {  	s5 =	sshll.u32 @p0 s5, $0xE  }
0xa9: {  	s5 =	sadd.s32 @p0 $0x11B8D, s5;
	s6 =	sshll.u32 @p0 s4, $0x11  }
0xaa: {  	s5 =	sor.u32 @p0 s6, s5  }
0xab: {  	[sflag:s5] =	ssyncadd.remote.s32 @p0 $0x1;
	_ =	sdelay $0x1  }
0xac: {  	s5 =	simm.s32 @p0 $0x1B8D  }
0xad: {  	_ =	swait.eq @p0 [sflag:s5], $0x1  }
0xae: {  	[sflag:s5] =	ssyncadd.s32 @p0 $0xFFFFFFFF  }
0xaf: {  	s6 =	sshll.u32 @!p0 s1, $0xE  }
0xb0: {  	s6 =	sor.u32 @!p0 $0x4000, s6;
	s5 =	simm.s32 @!p0 $0x1B8D  }
0xb1: {  	s4 =	sshll.u32 @!p0 s4, $0x11;
	s6 =	sadd.s32 @!p0 $0x11B8D, s6;
	_ =	swait.eq @!p0 [sflag:s5], $0x1  }
0xb2: {  	s4 =	sor.u32 @!p0 s4, s6;
	[sflag:s5] =	ssyncadd.s32 @!p0 $0xFFFFFFFF  }
0xb3: {  	s25 =	simm.s32 $0x1B8E;
	s24 =	sld [smem:$0x3FFE];
	[sflag:s4] =	ssyncadd.remote.s32 @!p0 $0x1  }
0xb4: {  	s26 =	simm.s32 $execute0_lowered;
	[smem:$0x3FD2] =	sst s25  }
0xb5: {  	s5 =	sshll.u32 s26, $0x1;
	_ =	strace $0x8000004C;
	[dreg:$0x1] =	wrdreg $0xFFFFFFFF  }
0xb6: {  	s28 =	simm.s32 $_size_execute0_lowered;
	s3 =	sadd.s32 s3, s5;
	[dreg:$0x0] =	wrdreg $0x0  }
0xb7: {  	s5 =	sshll.u32 s28, $0x1;
	[dreg:$0x2] =	wrdreg s3  }
0xb8: {  	[dreg:$0x3] =	wrdreg s5  }
0xb9: {  	[dreg:$0x4] =	wrdreg $0xC0  }
0xba: {  	_ =	task [dreg:s22], $0x5FFFF  }
0xbb: {  	[dreg:$0x1] =	wrdreg $0xFFFFFFFF  }
0xbc: {  	[dreg:$0x0] =	wrdreg $0x60  }
0xbd: {  	[dreg:$0x2] =	wrdreg s24  }
0xbe: {  	[dreg:$0x3] =	wrdreg $0x9  }
0xbf: {  	_ =	task.clear_ibuf [dreg:s22], $0x4FFFF;
	_ =	strace $0x9000004C  }
0xc0: {  	s29 =	simm.s32 $0x9;
	_ =	strace $0x8000004E  }
0xc1: {  	_ =	swait.ge [sflag:s29], $0x1  }
0xc2: {  	[sflag:s29] =	ssyncadd.s32 $0xFFFFFFFF  }
0xc3: {  	_ =	strace $0x9000004E  }
0xc4: {  	_ =	sfence  }
0xc5: {  	s30 =	sld [smem:$0x0];
	_ =	sdelay $0x2  }
0xc6: {  	s31 =	sshll.u32 s1, $0xD;
	s1 =	sshrl.u32 s1, $0x2  }
0xc7: {  	s4 =	sand.u32 $0x4000, s31;
	s1 =	sadd.s32 s1, s30  }
0xc8: {  	s0 =	sor.u32 s4, s0;
	s1 =	sshll.u32 s1, $0x11  }
0xc9: {  	s0 =	sor.u32 s1, s0  }
0xca: {  	s0 =	sadd.s32 $0x8F2B, s0  }
0xcb: {  	[sflag:s0] =	ssyncadd.remote.s32 $0x1  }
0xcc: {  	_ =	sfence.sel $0xFFFF  }
0xcd: {  	[dreg:$0x0] =	wrdreg $0xFFFFFFFF;
	(pc) =	sbr.abs _section_cstart, $3  }
0xce: {  	[dreg:$0x1] =	wrdreg $0xFFFFFFFF  }
0xcf: {  	_ =	task.clear_ibuf [dreg:s22], $0x2FFFF;
	_ =	strace $0x9FFFFFFF  }
0xd0: {  	(tm) =	ssettm $0x7FFFFFFF  }
0xd1: {  	_ =	shalt  }
tec
execute0_lowered:
.L_overlay_start_1:
0x0: {  	(tag) =	ssettag $0x1  }
0x1: {  	s2 =	rddreg [dreg:$0x0]  }
0x2: {  	s0 =	rddreg [dreg:$0x1]  }
0x3: {  	s1 =	srdreg.scid;
	_ =	strace $0x8000004D;
	s4 =	simm.s32 $0x1  }
0x4: {  	s9 =	simm.s32 $0x3;
	s12 =	simm.s32 $0x0;
	s5 =	sshll.u32 s1, $0x4  }
.Ltmp0:
0x5: {  	s1 =	stileid.u32;
	s5 =	sand.u32 $0x10, s5;
	(pc) =	sbr.rel .LBB2_1-.Ltmp0, $4  }
0x6: {  	s10 =	simm.s32 $0x0;
	s3 =	sadd.s32 $0x200000, s2;
	s6 =	sor.u32 s1, s5  }
0x7: {  	[sflag:s4] =	ssyncpa.u1 $0x0;
	s5 =	simm.s32 $0x2;
	s6 =	sshll.u32 s6, $0x6  }
0x8: {  	s7 =	sadd.s32 $0x8200, s2;
	[sflag:s5] =	ssyncpa.u1 $0x0;
	s8 =	sadd.s32 $0x40, s6  }
0x9: {  	vm0 =	vmmov $0xff;
	vm1 =	vcmask $0x3F20;
	[sflag:s9] =	ssyncpa.u1 $0x0;
	s9 =	simm.s32 $0x40;
	s11 =	smov.u32 s6  }
.LBB2_10:
0xa: {  	[hbm:s16] =	stream.linear.scatter [tilespmem:s13], [sflag:$0x3], $0x800, $0x38;
	[tilespmem:$0x8080] =	vst v63  }
.LBB2_11:
0xb: {  	p0 =	seq.s32 s10, $0x2  }
.Ltmp1:
0xc: {  	_ = 	snop;
	(pc) =	sbr.rel @p0 .LBB2_13-.Ltmp1, $1  }
0xd: {  	_ =	sdelay $0x3  }
.LBB2_12:
0xe: {  	s12 =	sadd.s32 $0x40, s11  }
0xf: {  	s13 =	smov.u32 s6;
	p0 =	slt.s32 s12, s8  }
0x10: {  	s13 =	smov.u32 @p0 s12  }
0x11: {  	s10 =	sadd.s32 $0x1, s10;
	s12 =	smov.u32 s11;
	s11 =	smov.u32 s13  }
.LBB2_1:
0x12: {  	p0 =	sne.s32 s10, $0x0  }
.Ltmp2:
0x13: {  	_ = 	snop;
	(pc) =	sbr.rel @!p0 .LBB2_2-.Ltmp2, $1  }
0x14: {  	_ =	sdelay $0x3  }
0x15: {  	s13 =	sand.u32 $0x1, s10  }
0x16: {  	p0 =	seq.s32 s13, $0x0  }
.Ltmp3:
0x17: {  	_ = 	snop;
	(pc) =	sbr.rel @p0 .LBB2_11-.Ltmp3, $1  }
0x18: {  	_ =	sdelay $0x3  }
0x19: {  	_ =	swait.ge [sflag:s5], $0x40  }
0x1a: {  	[sflag:s5] =	ssyncset.done $0x0  }
0x1b: {  	s13 =	simm.s32 $0x0;
	[sflag:s5] =	ssyncadd.s32 $0xFFFFFFC0  }
.LBB2_5:
0x1c: {  	s14 =	sshll.u32 s13, $0x4  }
0x1d: {  	s14 =	sand.u32 $0x3FFFFFF0, s14  }
0x1e: {  	v0 =	vld.msk [tilespmem:s14+$0x40 ss:$0x1], $0xffff;
	_ =	sdelay $0x4  }
0x1f: {  	v1 =	vshrl.u32 v0, $0x1  }
0x20: {  	vm2 =	veq.s32 v0, $0x80000000;
	v1 =	vand.u32 $0x7FF, v1  }
0x21: {  	v0 =	vshll.u32 v0, $0x13;
	v1 =	vsel vm2, $0xFFFFFFFF, v1  }
0x22: {  	v0 =	vand.u32 $0x80000, v0;
	v2 =	vshll.u32 v1, $0x8  }
0x23: {  	v0 =	vsel vm2, $0xFFF80000, v0;
	v1 =	vshll.u32 v1, $0x7;
	v2 =	vand.u32 $0xFFFFF800, v2  }
0x24: {  	s31 =	sshll.u32 s13, $0xC;
	v1 =	vand.u32 $0x380, v1;
	v0 =	vadd.s32 v0, v2  }
0x25: {  	s14 =	sand.u32 $0x3FFFF000, s31;
	v0 =	vor.u32 v1, v0  }
0x26: {  	p0 =	por $0x1, $0x1;
	s15 =	simm.s32 $0x0;
	s14 =	sadd.s32 $0x4080, s14;
	v0 =	vshrl.u32 v0, $0x3  }
.LBB2_6:
0x27: {  	_ =	sdelay $0x1  }
0x28: {  	s15 =	sshra.s32 s15, $0x2;
	p1 =	por p0, p0  }
.Ltmp4:
0x29: {  	s15 =	sadd.s32 s15, s14;
	(pc) =	sbr.rel @p1 .LBB2_6-.Ltmp4, $4  }
0x2a: {  	[tilespmem:s15], [sflag:$0x1] =	stream.indirect_vreg.gather [hbm:s3], $0x80, v0, vm0, $0x38;
	[tilespmem:$0x8080] =	vst v63  }
0x2b: {  	s15 =	sadd.s32 $0x800, s15  }
0x2c: {  	[tilespmem:s15], [sflag:$0x1] =	stream.indirect_vreg.gather [hbm:s3], $0x80, v0, vm1, $0x38;
	[tilespmem:$0x8080] =	vst v63  }
0x2d: {  	p0 =	por $0x0, $0x0;
	v0 =	vadd.s32 $0x80, v0;
	s15 =	simm.s32 $0x1000  }
0x2e: {  	s13 =	sadd.s32 $0x1, s13  }
0x2f: {  	p0 =	sne.s32 s13, $0x4  }
.Ltmp5:
0x30: {  	_ = 	snop;
	(pc) =	sbr.rel @p0 .LBB2_5-.Ltmp5, $1  }
0x31: {  	_ =	sdelay $0x3  }
0x32: {  	s13 =	sshll.u32 s12, $0x5  }
0x33: {  	_ =	swait.ge [sflag:s4], $0x4000;
	s31 =	sshll.u32 s12, $0x4;
	s13 =	sand.u32 $0xFFFFFF00, s13  }
0x34: {  	s14 =	simm.s32 $0x100;
	s12 =	sand.u32 $0x70, s31;
	s13 =	sadd.s32 s13, s7  }
0x35: {  	s15 =	simm.s32 $0x4880;
	[sflag:s4] =	ssyncset.done $0x0;
	s12 =	sadd.s32 s12, s13  }
0x36: {  	[sflag:s4] =	ssyncadd.s32 $0xFFFFC000;
	s13 =	simm.s32 $0x4080;
	s16 =	sadd.s32 $0x0, s12  }
.LBB2_9:
0x37: {  	[hbm:s16] =	stream.linear.scatter [tilespmem:s13], [sflag:$0x3], $0x800, $0x38;
	[tilespmem:$0x8080] =	vst v63  }
0x38: {  	s16 =	smov.u32 s14;
	s13 =	smov.u32 s15;
	p0 =	sne.s32 s14, $0x700  }
.Ltmp6:
0x39: {  	s14 =	sadd.s32 $0x100, s14;
	(pc) =	sbr.rel @p0 .LBB2_9-.Ltmp6, $2  }
0x3a: {  	_ =	sdelay $0x2  }
0x3b: {  	s15 =	sadd.s32 $0x800, s15;
	s16 =	sadd.s32 s16, s12  }
.Ltmp7:
0x3c: {  	_ = 	snop;
	(pc) =	sbr.rel .LBB2_10-.Ltmp7, $1  }
0x3d: {  	_ =	sdelay $0x3  }
.LBB2_2:
.Ltmp8:
0x3e: {  	(pc) =	sbr.rel .LBB2_12-.Ltmp8, $4  }
0x3f: {  	_ = 	snop  }
0x40: {  	s12 =	sshrl.u32 s11, $0x3  }
0x41: {  	s13 =	sand.u32 $0x7, s11;
	s12 =	sadd.s32 s2, s12  }
0x42: {  	[tilespmem:s9], [sflag:$0x2] =	stream.linear.gather [hbm4b:s12+s13], $0x40, $0x38;
	[tilespmem:$0x8080] =	vst v63  }
.LBB2_13:
0x43: {  	s2 =	simm.s32 $0x3  }
0x44: {  	_ =	swait.ge [sflag:s2], $0x4000  }
0x45: {  	[sflag:s2] =	ssyncset.done $0x0  }
0x46: {  	[sflag:s2] =	ssyncadd.s32 $0xFFFFC000  }
0x47: {  	_ =	sfence.sel $0x180000  }
0x48: {  	s3 =	simm.s32 $0x2;
	[bflag:$0x0] =	sbarrier.arrive $0xFFFF  }
0x49: {  	[sflag:s3] =	ssyncpa.u1 $0x1  }
0x4a: {  	s31 =	simm.s32 $0x1;
	[sflag:s2] =	ssyncpa.u1 $0x1  }
0x4b: {  	[sflag:s31] =	ssyncpa.u1 $0x1  }
0x4c: {  	p0 =	sne.s32 s1, $0x0;
	_ =	strace $0x9000004D  }
0x4d: {  	s0 =	sadd.s32 @!p0 $0x100000, s0;
	[bflag:$0x2] =	sbarrier.arrive $0xFFFF  }
0x4e: {  	[sflag:s0] =	ssyncadd.tile.s32 @!p0 $0x1;
	_ =	shalt  }
.Lfunc_end2:
_tile_overlayer_lowered:
.L_overlay_start_2:
0x4f: {  	(tag) =	ssettag $0x2  }
0x50: {  	s0 =	rddreg [dreg:$0x0];
	s2 =	stileid.u32  }
0x51: {  	s1 =	rddreg [dreg:$0x1];
	p0 =	sne.s32 s2, $0x0  }
0x52: {  	s3 =	rddreg [dreg:$0x2];
	[bflag:$0x3] =	sbarrier.arrive $0xFFFF;
	s2 =	simm.s32 @!p0 $0x1C01  }
0x53: {  	[timem:s3], [sflag:s2] =	dma.local @!p0 [hbm:s0], s1  }
0x54: {  	s0 =	simm.s32 @!p0 $0x1  }
0x55: {  	_ =	swait.ge @!p0 [sflag:s0], s1  }
0x56: {  	s1 =	ssub.s32 @!p0 $0x0, s1;
	[sflag:s0] =	ssyncset.done @!p0 $0x0  }
0x57: {  	[sflag:s0] =	ssyncadd.s32 @!p0 s1  }
0x58: {  	[bflag:$0x3] =	sbarrier.arrive $0xFFFF  }
0x59: {  	_ =	shalt  }

// kernel: sparse-core-data-format-call.cloned.1.call-start
scs
called_computation_lowered:
.L_overlay_start_0:
0x0: {  	s1 =	sld [smem:$0x3FD9]  }
0x1: {  	s2 =	sld [smem:$0x3FFE];
	_ =	sdelay $0x1  }
0x2: {  	s3 =	srdreg.scid  }
0x3: {  	s0 =	sand.u32 $0x1, s3  }
0x4: {  	s17 =	sshll.u32 s0, $0xA;
	s1 =	sadd.s32 s2, s1  }
0x5: {  	s1 =	sadd.s32 s1, s17  }
0x6: {  	[smem:$0x3FC6] =	sst s1  }
0x7: {  	_ = 	snop  }
0x8: {  	(tm) =	ssettm $0x1  }
0x9: {  	s18 =	sld [smem:$0x3FFB];
	_ =	sdelay $0x3  }
0xa: {  	_ =	strace s18  }
0xb: {  	s1 =	sld [smem:$0x3FFC];
	_ =	sdelay $0x3  }
0xc: {  	_ =	strace s1  }
0xd: {  	s1 =	sld [smem:$0x3FFD];
	_ =	sdelay $0x3  }
0xe: {  	_ =	strace s1  }
0xf: {  	_ =	strace $0x8FFFFFFF  }
0x10: {  	s19 =	sld [smem:$0x3FDB];
	_ =	sdelay $0x1  }
0x11: {  	s20 =	simm.s32 $_scs_section_size  }
0x12: {  	s4 =	simm.s32 $_size__tile_overlayer_lowered;
	s5 =	simm.s32 $_tile_overlayer_lowered  }
0x13: {  	s23 =	simm.s32 $0x1BFF;
	s22 =	sshll.u32 s5, $0x1;
	s1 =	sadd.s32 s20, s19  }
0x14: {  	s6 =	simm.s32 $0x0;
	s21 =	sshll.u32 s4, $0x1;
	s4 =	sadd.s32 s22, s1  }
0x15: {  	[timem:s6], [sflag:s23] =	dma.local [hbm:s4], s21  }
0x16: {  	_ =	swait.ge [sflag:s23], s21  }
0x17: {  	s2 =	ssub.s32 $0x0, s21;
	[sflag:s23] =	ssyncset.done $0x0  }
0x18: {  	[sflag:s23] =	ssyncadd.s32 s2;
	_ =	sdelay $0x1  }
0x19: {  	s24 =	simm.s32 $0x1B8B  }
0x1a: {  	_ =	swait.ge [sflag:s24], $0x1  }
0x1b: {  	[sflag:s24] =	ssyncset.done $0x0  }
0x1c: {  	s26 =	simm.s32 $0x1B8E;
	s25 =	sld [smem:$0x3FFE];
	[sflag:s24] =	ssyncadd.s32 $0xFFFFFFFF  }
0x1d: {  	s27 =	simm.s32 $execute0_lowered;
	[smem:$0x3FD2] =	sst s26  }
0x1e: {  	s4 =	sshll.u32 s27, $0x1;
	_ =	strace $0x80000046;
	[dreg:$0x1] =	wrdreg $0xFFFFFFFF  }
0x1f: {  	s28 =	simm.s32 $_size_execute0_lowered;
	s1 =	sadd.s32 s1, s4;
	[dreg:$0x0] =	wrdreg $0x0  }
0x20: {  	s4 =	sshll.u32 s28, $0x1;
	[dreg:$0x2] =	wrdreg s1  }
0x21: {  	[dreg:$0x3] =	wrdreg s4  }
0x22: {  	[dreg:$0x4] =	wrdreg $0xC0  }
0x23: {  	_ =	task [dreg:s6], $0x5FFFF  }
0x24: {  	[dreg:$0x1] =	wrdreg $0xFFFFFFFF  }
0x25: {  	[dreg:$0x0] =	wrdreg $0x60  }
0x26: {  	[dreg:$0x2] =	wrdreg s25  }
0x27: {  	[dreg:$0x3] =	wrdreg $0x9  }
0x28: {  	_ =	task.clear_ibuf [dreg:s6], $0x4FFFF;
	_ =	strace $0x90000046  }
0x29: {  	s29 =	simm.s32 $0x9;
	_ =	strace $0x80000048  }
0x2a: {  	_ =	swait.ge [sflag:s29], $0x1  }
0x2b: {  	[sflag:s29] =	ssyncadd.s32 $0xFFFFFFFF  }
0x2c: {  	_ =	strace $0x90000048  }
0x2d: {  	_ =	sfence  }
0x2e: {  	s30 =	sld [smem:$0x0];
	_ =	sdelay $0x2  }
0x2f: {  	s31 =	sshll.u32 s3, $0xD;
	s3 =	sshrl.u32 s3, $0x2  }
0x30: {  	s2 =	sand.u32 $0x4000, s31;
	s1 =	sadd.s32 s3, s30  }
0x31: {  	s0 =	sor.u32 s2, s0;
	s1 =	sshll.u32 s1, $0x11  }
0x32: {  	s0 =	sor.u32 s1, s0  }
0x33: {  	s0 =	sadd.s32 $0x8F2B, s0  }
0x34: {  	[sflag:s0] =	ssyncadd.remote.s32 $0x1  }
0x35: {  	_ =	sfence.sel $0xFFFF  }
0x36: {  	[dreg:$0x0] =	wrdreg $0xFFFFFFFF;
	(pc) =	sbr.abs _section_cstart, $3  }
0x37: {  	[dreg:$0x1] =	wrdreg $0xFFFFFFFF  }
0x38: {  	_ =	task.clear_ibuf [dreg:s6], $0x2FFFF;
	_ =	strace $0x9FFFFFFF  }
0x39: {  	(tm) =	ssettm $0x7FFFFFFF  }
tec
execute0_lowered:
.L_overlay_start_1:
0x0: {  	(tag) =	ssettag $0x1  }
0x1: {  	s0 =	stileid.u32;
	s1 =	srdreg.scid;
	s8 =	simm.s32 $0x2  }
0x2: {  	s16 =	simm.s32 $0x0;
	s2 =	sshll.u32 s0, $0x6;
	s1 =	sshll.u32 s1, $0xA  }
0x3: {  	s9 =	simm.s32 $0x4000;
	s14 =	simm.s32 $0x0;
	s1 =	sor.u32 s2, s1  }
0x4: {  	s15 =	simm.s32 $0x0;
	s10 =	simm.s32 $0x0;
	s1 =	sand.u32 $0x780, s1  }
0x5: {  	s13 =	simm.s32 $0x0;
	s2 =	sand.u32 $0x1, s0;
	s3 =	ssub.s32 $0x800, s1  }
0x6: {  	s4 =	ssub.s32 $0x2, s2;
	s12 =	smov.u32 s2;
	s5 =	sand.u32 $0x780, s3  }
0x7: {  	s6 =	sshrl.u32 s4, $0x1;
	p0 =	sne.s32 s5, $0x0;
	s5 =	simm.s32 $0x1  }
0x8: {  	s7 =	sand.u32 $0x1, s4;
	s3 =	sshrl.u32 s3, $0xB;
	s5 =	simm.s32 @!p0 $0x0  }
.Ltmp0:
0x9: {  	s6 =	sadd.s32 s7, s6;
	s5 =	sadd.s32 s5, s3;
	(pc) =	sbr.rel .LBB1_1-.Ltmp0, $4  }
0xa: {  	s4 =	rddreg [dreg:$0x0];
	s11 =	smov.u32 s1;
	s7 =	smul.u32 s5, s6  }
0xb: {  	s3 =	rddreg [dreg:$0x1];
	_ =	strace $0x80000047;
	s6 =	simm.s32 $0x1  }
0xc: {  	p0 =	por $0x0, $0x0;
	[sflag:s6] =	ssyncpa.u1 $0x0;
	s7 =	sshll.u32 s7, $0x4  }
0xd: {  	s5 =	sadd.s32 $0x100000, s4;
	[sflag:s8] =	ssyncpa.u1 $0x0;
	s8 =	sor.u32 $0x1, s7  }
.LBB1_4:
0xe: {  	v5 =	vld [tilespmem:s19+$0xFFFFFFD0]  }
0xf: {  	[tilespmem:s20+$0x2040 ss:$0x81] =	vst.msk $0xffff, v1;
	v58 =	vld [tilespmem:s19+$0xFFFFFFE0]  }
0x10: {  	[tilespmem:s20+$0x2850 ss:$0x81] =	vst.msk $0xffff, v2;
	v59 =	vld [tilespmem:s19+$0xFFFFFFF0]  }
0x11: {  	s21 =	sshra.s32 s21, $0x2;
	[tilespmem:s20+$0x3060 ss:$0x81] =	vst.msk $0xffff, v3;
	v60 =	vld [tilespmem:s19+$0x0]  }
0x12: {  	[tilespmem:s20+$0x0 ss:$0x81] =	vst.msk $0xffff, v0;
	v61 =	vld [tilespmem:s19+$0x10];
	s18 =	sadd.s32 s21, s18  }
0x13: {  	s26 =	sshll.u32 s16, $0xB;
	v62 =	vld [tilespmem:s19+$0x20];
	[tilespmem:s18+$0x3870 ss:$0x81] =	vst.msk $0xffff, v4  }
0x14: {  	s27 =	sand.u32 $0x78, s14;
	s22 =	sshll.u32 s14, $0x3;
	v63 =	vld [tilespmem:s19+$0xFFFFFFC0];
	s29 =	sshll.u32 s16, $0x7;
	[tilespmem:s18+$0x810 ss:$0x81] =	vst.msk $0xffff, v5  }
0x15: {  	s15 =	sshll.u32 s15, $0x13;
	s20 =	sand.u32 $0x3FC000, s26;
	s28 =	sand.u32 $0x3FFC00, s22;
	[tilespmem:s18+$0x1020 ss:$0x81] =	vst.msk $0xffff, v58  }
0x16: {  	s31 =	sand.u32 $0x7, s14;
	s22 =	sand.u32 $0x400, s22;
	s19 =	sadd.s32 s28, s20;
	[tilespmem:s18+$0x1830 ss:$0x81] =	vst.msk $0xffff, v59  }
0x17: {  	s16 =	sand.u32 $0x380, s29;
	s30 =	sor.u32 s27, s22;
	s19 =	sshrl.u32 s19, $0x3;
	[tilespmem:s18+$0x2040 ss:$0x81] =	vst.msk $0xffff, v60  }
0x18: {  	s15 =	sadd.s32 s5, s15;
	s16 =	sor.u32 s16, s30;
	s19 =	sand.u32 $0x7FF00, s19;
	[tilespmem:s18+$0x2850 ss:$0x81] =	vst.msk $0xffff, v61  }
0x19: {  	s14 =	sshll.u32 s31, $0x12;
	s16 =	sshrl.u32 s16, $0x3;
	[tilespmem:s18+$0x3060 ss:$0x81] =	vst.msk $0xffff, v62;
	s15 =	sadd.s32 s19, s15  }
0x1a: {  	s14 =	sor.u32 $0x400, s14;
	[tilespmem:s18+$0x0 ss:$0x81] =	vst.msk $0xffff, v63;
	s15 =	sadd.s32 s16, s15  }
0x1b: {  	[hbm4b:s15+s14] =	stream.strided.scatter [tilespmem:s17], [sflag:$0x2], $0x4000, s9, s14, $0x20;
	[tilespmem:$0x10100] =	vst v63  }
.LBB1_5:
0x1c: {  	s17 =	sadd.s32 $0x80, s10  }
0x1d: {  	s14 =	sadd.s32 $0x800, s11;
	s18 =	smov.u32 s11;
	p2 =	sgt.s32 s17, $0x7FF  }
0x1e: {  	s18 =	smov.u32 @p2 s14  }
0x1f: {  	s20 =	smov.u32 s12;
	s14 =	sadd.s32 $0x2, s12;
	p3 =	sgt.s32 s18, $0x7FF  }
0x20: {  	s20 =	smov.u32 @p3 s14  }
0x21: {  	s17 =	simm.s32 @p2 $0x0;
	p2 =	sgt.s32 s20, $0x1  }
0x22: {  	p1 =	slt.u32 s13, $0x2;
	s20 =	smov.u32 @p2 s2;
	p2 =	sne.s32 s13, s8  }
.Ltmp1:
0x23: {  	s19 =	simm.s32 @!p1 $0x2;
	(pc) =	sbr.rel @!p2 .LBB1_6-.Ltmp1, $4  }
0x24: {  	s16 =	smov.u32 s10;
	s15 =	smov.u32 s12;
	_ =	swait.ge @!p1 [sflag:s19], $0x4000  }
0x25: {  	p0 =	por !p0, !p0;
	[sflag:s19] =	ssyncset.done @!p1 $0x0;
	s10 =	smov.u32 s17  }
0x26: {  	s18 =	smov.u32 @p3 s1;
	s14 =	smov.u32 s11;
	[sflag:s19] =	ssyncadd.s32 @!p1 $0xFFFFC000  }
0x27: {  	s11 =	smov.u32 s18;
	s13 =	sadd.s32 $0x1, s13;
	s12 =	smov.u32 s20  }
.LBB1_1:
0x28: {  	p1 =	sge.u32 s13, s7;
	s31 =	sadd.s32 $0xFFFFFFFF, s13  }
0x29: {  	s17 =	sxor.u32 @!p1 $0xFFFFFFFF, s13;
	s18 =	sand.u32 @!p1 $0x78, s10;
	s19 =	sshll.u32 @!p1 s11, $0xB  }
0x2a: {  	s20 =	sshll.u32 @!p1 s11, $0x7;
	s21 =	sshll.u32 @!p1 s10, $0x3;
	s17 =	sshll.u32 @!p1 s17, $0xE  }
0x2b: {  	s19 =	sand.u32 @!p1 $0x3FC000, s19;
	s20 =	sand.u32 @!p1 $0x380, s20;
	s17 =	sand.u32 @!p1 $0x4000, s17  }
0x2c: {  	s19 =	sadd.s32 @!p1 s19, s21;
	s21 =	sand.u32 @!p1 $0x400, s21;
	s18 =	sor.u32 @!p1 s20, s18  }
0x2d: {  	s20 =	sshll.u32 @!p1 s12, $0x13;
	s18 =	sor.u32 @!p1 s21, s18;
	s19 =	sshrl.u32 @!p1 s19, $0x3  }
0x2e: {  	s20 =	sadd.s32 @!p1 s4, s20;
	s21 =	sand.u32 @!p1 $0x7, s10;
	s19 =	sand.u32 @!p1 $0x7FF00, s19  }
0x2f: {  	s18 =	sshrl.u32 @!p1 s18, $0x3;
	s19 =	sadd.s32 @!p1 s19, s20;
	s20 =	sshll.u32 @!p1 s21, $0x12  }
0x30: {  	s18 =	sadd.s32 @!p1 s18, s19;
	s19 =	sor.u32 @!p1 $0x400, s20;
	s20 =	simm.s32 @!p1 $0x4000  }
0x31: {  	[tilespmem:s17], [sflag:$0x1] =	stream.strided.gather @!p1 [hbm4b:s18+s19], $0x4000, s20, s19, $0x38;
	[tilespmem:$0x10100] =	vst v63  }
0x32: {  	p1 =	sge.u32 s31, s7  }
.Ltmp2:
0x33: {  	_ = 	snop;
	(pc) =	sbr.rel @p1 .LBB1_5-.Ltmp2, $1  }
0x34: {  	_ =	sdelay $0x3  }
0x35: {  	s17 =	simm.s32 $0x1  }
0x36: {  	_ =	swait.ge [sflag:s6], $0x4000;
	s17 =	simm.s32 @!p0 $0x0  }
0x37: {  	[sflag:s6] =	ssyncset.done $0x0;
	s18 =	sshll.u32 s17, $0xE  }
0x38: {  	[sflag:s6] =	ssyncadd.s32 $0xFFFFC000;
	s19 =	sor.u32 $0x40, s18  }
0x39: {  	s17 =	smul.u32 $0x10200, s17;
	v0 =	vld [tilespmem:s19+$0x30]  }
0x3a: {  	v3 =	vld [tilespmem:s19+$0xFFFFFFD0]  }
0x3b: {  	s17 =	sshrl.u32 s17, $0x2;
	v4 =	vld [tilespmem:s19+$0xFFFFFFE0]  }
0x3c: {  	v5 =	vld [tilespmem:s19+$0xFFFFFFF0];
	s18 =	sor.u32 $0x8000, s17  }
0x3d: {  	s31 =	sand.u32 $0x1, s13;
	v1 =	vld [tilespmem:s19+$0x0];
	s20 =	sadd.s32 $0x0, s18  }
0x3e: {  	v2 =	vld [tilespmem:s19+$0x10];
	s17 =	smul.u32 $0x10200, s31;
	[tilespmem:s20+$0x3870 ss:$0x81] =	vst.msk $0xffff, v0  }
0x3f: {  	[tilespmem:s20+$0x810 ss:$0x81] =	vst.msk $0xffff, v3;
	v3 =	vld [tilespmem:s19+$0x20]  }
0x40: {  	s17 =	sshrl.u32 s17, $0x2;
	v0 =	vld [tilespmem:s19+$0xFFFFFFC0];
	[tilespmem:s20+$0x1020 ss:$0x81] =	vst.msk $0xffff, v4;
	s19 =	sadd.s32 $0x80, s19  }
0x41: {  	s21 =	simm.s32 $0x4;
	s22 =	simm.s32 $0x8;
	s17 =	sor.u32 $0x8000, s17;
	[tilespmem:s20+$0x1830 ss:$0x81] =	vst.msk $0xffff, v5;
	v4 =	vld [tilespmem:s19+$0x30]  }
.LBB1_3:
0x42: {  	p1 =	sne.s32 s22, $0x1FC;
	v5 =	vld [tilespmem:s19+$0xFFFFFFD0];
	[tilespmem:s20+$0x2040 ss:$0x81] =	vst.msk $0xffff, v1  }
0x43: {  	v6 =	vld [tilespmem:s19+$0xFFFFFFE0];
	[tilespmem:s20+$0x2850 ss:$0x81] =	vst.msk $0xffff, v2  }
0x44: {  	s23 =	sshra.s32 s21, $0x2;
	s21 =	smov.u32 s22;
	v7 =	vld [tilespmem:s19+$0xFFFFFFF0];
	[tilespmem:s20+$0x3060 ss:$0x81] =	vst.msk $0xffff, v3  }
.Ltmp3:
0x45: {  	v1 =	vld [tilespmem:s19+$0x0];
	[tilespmem:s20+$0x0 ss:$0x81] =	vst.msk $0xffff, v0;
	s20 =	sadd.s32 s23, s18;
	(pc) =	sbr.rel @p1 .LBB1_3-.Ltmp3, $4  }
0x46: {  	v2 =	vld [tilespmem:s19+$0x10];
	[tilespmem:s20+$0x3870 ss:$0x81] =	vst.msk $0xffff, v4  }
0x47: {  	[tilespmem:s20+$0x810 ss:$0x81] =	vst.msk $0xffff, v5;
	v3 =	vld [tilespmem:s19+$0x20]  }
0x48: {  	v0 =	vld [tilespmem:s19+$0xFFFFFFC0];
	[tilespmem:s20+$0x1020 ss:$0x81] =	vst.msk $0xffff, v6;
	s19 =	sadd.s32 $0x80, s19  }
0x49: {  	s22 =	sadd.s32 $0x4, s22;
	v4 =	vld [tilespmem:s19+$0x30];
	[tilespmem:s20+$0x1830 ss:$0x81] =	vst.msk $0xffff, v7  }
.Ltmp4:
0x4a: {  	_ = 	snop;
	(pc) =	sbr.rel .LBB1_4-.Ltmp4, $1  }
0x4b: {  	_ =	sdelay $0x3  }
.LBB1_6:
0x4c: {  	_ =	sfence.sel $0x180000  }
0x4d: {  	s1 =	simm.s32 $0x1;
	[bflag:$0x0] =	sbarrier.arrive $0xFFFF  }
0x4e: {  	s31 =	simm.s32 $0x2;
	[sflag:s1] =	ssyncpa.u1 $0x1  }
0x4f: {  	[sflag:s31] =	ssyncpa.u1 $0x1  }
0x50: {  	p0 =	sne.s32 s0, $0x0;
	_ =	strace $0x90000047  }
0x51: {  	s0 =	sadd.s32 @!p0 $0x100000, s3;
	[bflag:$0x2] =	sbarrier.arrive $0xFFFF  }
0x52: {  	[sflag:s0] =	ssyncadd.tile.s32 @!p0 $0x1;
	_ =	shalt  }
.Lfunc_end1:
_tile_overlayer_lowered:
.L_overlay_start_2:
0x53: {  	(tag) =	ssettag $0x2  }
0x54: {  	s0 =	rddreg [dreg:$0x0];
	s2 =	stileid.u32  }
0x55: {  	s1 =	rddreg [dreg:$0x1];
	p0 =	sne.s32 s2, $0x0  }
0x56: {  	s3 =	rddreg [dreg:$0x2];
	[bflag:$0x3] =	sbarrier.arrive $0xFFFF;
	s2 =	simm.s32 @!p0 $0x1C01  }
0x57: {  	[timem:s3], [sflag:s2] =	dma.local @!p0 [hbm:s0], s1  }
0x58: {  	s0 =	simm.s32 @!p0 $0x1  }
0x59: {  	_ =	swait.ge @!p0 [sflag:s0], s1  }
0x5a: {  	s1 =	ssub.s32 @!p0 $0x0, s1;
	[sflag:s0] =	ssyncset.done @!p0 $0x0  }
0x5b: {  	[sflag:s0] =	ssyncadd.s32 @!p0 s1  }
0x5c: {  	[bflag:$0x3] =	sbarrier.arrive $0xFFFF  }
0x5d: {  	_ =	shalt  }

</sc_bundles>
